<compile_context>
chip_gen: v7x
topology: tpu7x:2x2x1
jax: 0.10.2.dev20260603
libtpu: 0.0.44.dev20260713+nightly
codegen_flags: <defaults>
</compile_context>

<pallas_src>
import jax
import jax.numpy as jnp
from jax.experimental import pallas as pl
from jax.experimental.pallas import tpu as pltpu

_B, _H, _W, _C = 1, 512, 512, 96
_Ho, _Wo = _H // 2, _W // 2
_HB = 8


def _unpool_kernel(pi_ref, inp_ref, out_ref):
    a = pi_ref[:, 0]
    b = pi_ref[:, 1]
    col = jax.lax.broadcasted_iota(jnp.int32, (_HB, _W, _C), 1)
    even = (col % 2) == 0
    al = jnp.roll(a, -1, axis=1)
    ar = jnp.roll(a, 1, axis=1)
    bl = jnp.roll(b, -1, axis=1)
    br = jnp.roll(b, 1, axis=1)
    a_o = jnp.where(even, al, ar)
    b_o = jnp.where(even, bl, br)
    mx = jnp.maximum(jnp.maximum(a, a_o), jnp.maximum(b, b_o))
    m_a = a == mx
    m_b = b == mx
    m_ao = a_o == mx
    m_bo = b_o == mx
    f_a = m_a & (even | ~m_ao)
    f_b = m_b & ~(m_a | m_ao) & (even | ~m_bo)
    v = jnp.repeat(inp_ref[...], 2, axis=1)
    z = jnp.zeros_like(v)
    out_ref[:, 0] = jnp.where(f_a, v, z)
    out_ref[:, 1] = jnp.where(f_b, v, z)


def kernel(pool_input, pool_output, inputs):
    del pool_output
    pi = pool_input.reshape(_Ho, 2, _W, _C)
    inp = inputs.reshape(_Ho, _Wo, _C)
    out = pl.pallas_call(
        _unpool_kernel,
        grid=(_Ho // _HB,),
        in_specs=[
            pl.BlockSpec((_HB, 2, _W, _C), lambda i: (i, 0, 0, 0)),
            pl.BlockSpec((_HB, _Wo, _C), lambda i: (i, 0, 0)),
        ],
        out_specs=pl.BlockSpec((_HB, 2, _W, _C), lambda i: (i, 0, 0, 0)),
        out_shape=jax.ShapeDtypeStruct((_Ho, 2, _W, _C), inputs.dtype),
        compiler_params=pltpu.CompilerParams(
            dimension_semantics=("parallel",)),
    )(pi, inp)
    return out.reshape(_B, _H, _W, _C)

# --- scband reference (transcript-rebuilt; emitter-appended) ---
"""Pipeline reference for scband-max-unpooling2-d-40802189312546 (READ-ONLY COPY).

The authoritative reference and input builder live on the scoring server;
editing this copy changes nothing except your own understanding.
"""

import jax, jax.numpy as jnp
import numpy as np

B, H, W, C = 1, 512, 512, 96
PH, PW = 2, 2
SH, SW = 2, 2
Ho, Wo = H // SH, W // SW


def setup_inputs(seed: int = 0) -> dict:
    key = jax.random.key(seed)
    k1, k2 = jax.random.split(key)
    pool_input = jax.random.normal(k1, (B, H, W, C), dtype=jnp.float32)
    # pool_output MUST be the actual max-pool of pool_input, otherwise the
    # original module's equality search finds no match (it would crash).
    pool_output = pool_input.reshape(B, Ho, PH, Wo, PW, C).max(axis=(2, 4))
    inputs = jax.random.normal(k2, (B, Ho, Wo, C), dtype=jnp.float32)
    return {"pool_input": pool_input, "pool_output": pool_output, "inputs": inputs}


def reference(pool_input, pool_output, inputs):
    # Faithful vectorization of MaxUnpooling2D for pool_size=(2,2), strides=(2,2),
    # padding='valid': for each pooling region, find the FIRST (row-major) position
    # whose value equals the pooled max (matching get_region_max_index's scan order),
    # then scatter the corresponding value of `inputs` there (tf.scatter_nd semantics,
    # everything else zero).
    patches = pool_input.reshape(B, Ho, PH, Wo, PW, C)
    patches = patches.transpose(0, 1, 3, 2, 4, 5).reshape(B, Ho, Wo, PH * PW, C)
    mask = patches == pool_output[:, :, :, None, :]
    # argmax returns the first True in row-major region order, same as the loops
    amax = jnp.argmax(mask, axis=3)  # (B, Ho, Wo, C) in [0, PH*PW)
    dr = amax // PW
    dc = amax % PW
    ii = jnp.arange(Ho, dtype=amax.dtype).reshape(1, Ho, 1, 1)
    jj = jnp.arange(Wo, dtype=amax.dtype).reshape(1, 1, Wo, 1)
    rows = ii * SH + dr  # (B, Ho, Wo, C)
    cols = jj * SW + dc  # (B, Ho, Wo, C)
    bi = jnp.zeros_like(amax) + jnp.arange(B, dtype=amax.dtype).reshape(B, 1, 1, 1)
    ci = jnp.zeros_like(amax) + jnp.arange(C, dtype=amax.dtype).reshape(1, 1, 1, C)
    recreated_input = jnp.zeros((B, H, W, C), dtype=inputs.dtype)
    recreated_input = recreated_input.at[bi, rows, cols, ci].set(inputs)
    return recreated_input

if __name__ == "__main__":
    import jax
    _d = setup_inputs()
    print(jax.jit(kernel)(*tuple(_d.values())))

</pallas_src>

<mosaic_0001>
module attributes {stable_mosaic.version = 14 : i64} {
  func.func @_unpool_kernel(%arg0: i32, %arg1: memref<8x2x512x96xf32, #tpu.memory_space<vmem>>, %arg2: memref<8x256x96xf32, #tpu.memory_space<vmem>>, %arg3: memref<8x2x512x96xf32, #tpu.memory_space<vmem>>) attributes {dimension_semantics = [#tpu.dimension_semantics<parallel>], iteration_bounds = array<i64: 32>, scalar_prefetch = 0 : i64, scratch_operands = 0 : i64, tpu.core_type = #tpu.core_type<tc>, window_params = [{transform_indices = @transform_0, window_bounds = array<i64: 8, 2, 512, 96>}, {transform_indices = @transform_1, window_bounds = array<i64: 8, 256, 96>}, {transform_indices = @transform_2, window_bounds = array<i64: 8, 2, 512, 96>}]} {
    %get3A = arith.constant 0 : index
    %get3A_0 = arith.constant 0 : index
    %get3A_1 = arith.constant 0 : index
    %get3A_2 = arith.constant 0 : index
    %get3A_3 = vector.load %arg1[%get3A, %get3A_0, %get3A_1, %get3A_2] : memref<8x2x512x96xf32, #tpu.memory_space<vmem>>, vector<8x1x512x96xf32>
    %get3A_4 = vector.shape_cast %get3A_3 : vector<8x1x512x96xf32> to vector<8x512x96xf32>
    %get3A_5 = arith.constant 0 : index
    %get3A_6 = arith.constant 1 : index
    %get3A_7 = arith.constant 0 : index
    %get3A_8 = arith.constant 0 : index
    %get3A_9 = vector.load %arg1[%get3A_5, %get3A_6, %get3A_7, %get3A_8] : memref<8x2x512x96xf32, #tpu.memory_space<vmem>>, vector<8x1x512x96xf32>
    %get3A_10 = vector.shape_cast %get3A_9 : vector<8x1x512x96xf32> to vector<8x512x96xf32>
    %iota3A = tpu.iota {dimensions = array<i32: 1>} : vector<8x512x96xi32>
    %jit3A = arith.constant 2 : i32
    %eq3A = arith.constant 0 : i32
    %eq3A_11 = arith.cmpi eq, %jit3A, %eq3A : i32
    %jit3A_12 = arith.constant 1 : i32
    %select_n3A = arith.select %eq3A_11, %jit3A_12, %jit3A : i32
    %rem3A = vector.broadcast %select_n3A : i32 to vector<8x512x96xi32>
    %rem3A_13 = arith.remsi %iota3A, %rem3A : vector<8x512x96xi32>
    %ne3A = arith.constant 0 : i32
    %ne3A_14 = vector.broadcast %ne3A : i32 to vector<8x512x96xi32>
    %ne3A_15 = arith.cmpi ne, %rem3A_13, %ne3A_14 : vector<8x512x96xi32>
    %lt3A = arith.constant 0 : i32
    %lt3A_16 = vector.broadcast %lt3A : i32 to vector<8x512x96xi32>
    %lt3A_17 = arith.cmpi slt, %rem3A_13, %lt3A_16 : vector<8x512x96xi32>
    %lt3A_18 = arith.constant 0 : i32
    %lt3A_19 = arith.cmpi slt, %select_n3A, %lt3A_18 : i32
    %ne3A_20 = vector.broadcast %lt3A_19 : i1 to vector<8x512x96xi1>
    %ne3A_21 = vector.broadcast %ne3A_20 : vector<8x512x96xi1> to vector<8x512x96xi1>
    %ne3A_22 = arith.xori %lt3A_17, %ne3A_21 : vector<8x512x96xi1>
    %and3A = arith.andi %ne3A_22, %ne3A_15 : vector<8x512x96xi1>
    %add3A = vector.broadcast %select_n3A : i32 to vector<8x512x96xi32>
    %add3A_23 = arith.addi %rem3A_13, %add3A : vector<8x512x96xi32>
    %select_n3A_24 = arith.select %and3A, %add3A_23, %rem3A_13 : vector<8x512x96xi1>, vector<8x512x96xi32>
    %eq3A_25 = arith.constant 0 : i32
    %eq3A_26 = vector.broadcast %eq3A_25 : i32 to vector<8x512x96xi32>
    %eq3A_27 = arith.cmpi eq, %select_n3A_24, %eq3A_26 : vector<8x512x96xi32>
    %slice3A = vector.extract_strided_slice %get3A_4 {offsets = [0, 1, 0], sizes = [8, 511, 96], strides = [1, 1, 1]} : vector<8x512x96xf32> to vector<8x511x96xf32>
    %slice3A_28 = vector.extract_strided_slice %get3A_4 {offsets = [0, 0, 0], sizes = [8, 1, 96], strides = [1, 1, 1]} : vector<8x512x96xf32> to vector<8x1x96xf32>
    %concatenate3A = tpu.concatenate %slice3A, %slice3A_28 in 1 : vector<8x511x96xf32>, vector<8x1x96xf32> -> vector<8x512x96xf32>
    %slice3A_29 = vector.extract_strided_slice %get3A_4 {offsets = [0, 511, 0], sizes = [8, 1, 96], strides = [1, 1, 1]} : vector<8x512x96xf32> to vector<8x1x96xf32>
    %slice3A_30 = vector.extract_strided_slice %get3A_4 {offsets = [0, 0, 0], sizes = [8, 511, 96], strides = [1, 1, 1]} : vector<8x512x96xf32> to vector<8x511x96xf32>
    %concatenate3A_31 = tpu.concatenate %slice3A_29, %slice3A_30 in 1 : vector<8x1x96xf32>, vector<8x511x96xf32> -> vector<8x512x96xf32>
    %slice3A_32 = vector.extract_strided_slice %get3A_10 {offsets = [0, 1, 0], sizes = [8, 511, 96], strides = [1, 1, 1]} : vector<8x512x96xf32> to vector<8x511x96xf32>
    %slice3A_33 = vector.extract_strided_slice %get3A_10 {offsets = [0, 0, 0], sizes = [8, 1, 96], strides = [1, 1, 1]} : vector<8x512x96xf32> to vector<8x1x96xf32>
    %concatenate3A_34 = tpu.concatenate %slice3A_32, %slice3A_33 in 1 : vector<8x511x96xf32>, vector<8x1x96xf32> -> vector<8x512x96xf32>
    %slice3A_35 = vector.extract_strided_slice %get3A_10 {offsets = [0, 511, 0], sizes = [8, 1, 96], strides = [1, 1, 1]} : vector<8x512x96xf32> to vector<8x1x96xf32>
    %slice3A_36 = vector.extract_strided_slice %get3A_10 {offsets = [0, 0, 0], sizes = [8, 511, 96], strides = [1, 1, 1]} : vector<8x512x96xf32> to vector<8x511x96xf32>
    %concatenate3A_37 = tpu.concatenate %slice3A_35, %slice3A_36 in 1 : vector<8x1x96xf32>, vector<8x511x96xf32> -> vector<8x512x96xf32>
    %select_n3A_38 = arith.select %eq3A_27, %concatenate3A, %concatenate3A_31 : vector<8x512x96xi1>, vector<8x512x96xf32>
    %select_n3A_39 = arith.select %eq3A_27, %concatenate3A_34, %concatenate3A_37 : vector<8x512x96xi1>, vector<8x512x96xf32>
    %max3A = arith.maximumf %get3A_4, %select_n3A_38 : vector<8x512x96xf32>
    %max3A_40 = arith.maximumf %get3A_10, %select_n3A_39 : vector<8x512x96xf32>
    %max3A_41 = arith.maximumf %max3A, %max3A_40 : vector<8x512x96xf32>
    %eq3A_42 = arith.cmpf oeq, %get3A_4, %max3A_41 : vector<8x512x96xf32>
    %eq3A_43 = arith.cmpf oeq, %get3A_10, %max3A_41 : vector<8x512x96xf32>
    %eq3A_44 = arith.cmpf oeq, %select_n3A_38, %max3A_41 : vector<8x512x96xf32>
    %eq3A_45 = arith.cmpf oeq, %select_n3A_39, %max3A_41 : vector<8x512x96xf32>
    %not3A = arith.constant dense<true> : vector<8x512x96xi1>
    %not3A_46 = arith.xori %eq3A_44, %not3A : vector<8x512x96xi1>
    %or3A = arith.ori %eq3A_27, %not3A_46 : vector<8x512x96xi1>
    %and3A_47 = arith.andi %eq3A_42, %or3A : vector<8x512x96xi1>
    %or3A_48 = arith.ori %eq3A_42, %eq3A_44 : vector<8x512x96xi1>
    %not3A_49 = arith.constant dense<true> : vector<8x512x96xi1>
    %not3A_50 = arith.xori %or3A_48, %not3A_49 : vector<8x512x96xi1>
    %and3A_51 = arith.andi %eq3A_43, %not3A_50 : vector<8x512x96xi1>
    %not3A_52 = arith.constant dense<true> : vector<8x512x96xi1>
    %not3A_53 = arith.xori %eq3A_45, %not3A_52 : vector<8x512x96xi1>
    %or3A_54 = arith.ori %eq3A_27, %not3A_53 : vector<8x512x96xi1>
    %and3A_55 = arith.andi %and3A_51, %or3A_54 : vector<8x512x96xi1>
    %get3A_56 = arith.constant 0 : index
    %get3A_57 = arith.constant 0 : index
    %get3A_58 = arith.constant 0 : index
    %get3A_59 = vector.load %arg2[%get3A_56, %get3A_57, %get3A_58] : memref<8x256x96xf32, #tpu.memory_space<vmem>>, vector<8x256x96xf32>
    %broadcast_in_dim3A = vector.shape_cast %get3A_59 : vector<8x256x96xf32> to vector<8x256x1x96xf32>
    %broadcast_in_dim3A_60 = vector.broadcast %broadcast_in_dim3A : vector<8x256x1x96xf32> to vector<8x256x2x96xf32>
    %reshape3A = vector.shape_cast %broadcast_in_dim3A_60 : vector<8x256x2x96xf32> to vector<8x512x96xf32>
    %broadcast_in_dim3A_61 = arith.constant 0.000000e+00 : f32
    %broadcast_in_dim3A_62 = vector.broadcast %broadcast_in_dim3A_61 : f32 to vector<8x512x96xf32>
    %select_n3A_63 = arith.select %and3A_47, %reshape3A, %broadcast_in_dim3A_62 : vector<8x512x96xi1>, vector<8x512x96xf32>
    %swap3A = arith.constant 0 : index
    %swap3A_64 = arith.constant 0 : index
    %swap3A_65 = arith.constant 0 : index
    %swap3A_66 = arith.constant 0 : index
    %swap3A_67 = vector.load %arg3[%swap3A, %swap3A_64, %swap3A_65, %swap3A_66] : memref<8x2x512x96xf32, #tpu.memory_space<vmem>>, vector<8x1x512x96xf32>
    %swap3A_68 = vector.shape_cast %swap3A_67 : vector<8x1x512x96xf32> to vector<8x512x96xf32>
    %swap3A_69 = vector.shape_cast %select_n3A_63 : vector<8x512x96xf32> to vector<8x1x512x96xf32>
    tpu.vector_store %arg3[%swap3A, %swap3A_64, %swap3A_65, %swap3A_66], %swap3A_69 {strides = array<i32>} : memref<8x2x512x96xf32, #tpu.memory_space<vmem>>, vector<8x1x512x96xf32>,
    %select_n3A_70 = arith.select %and3A_55, %reshape3A, %broadcast_in_dim3A_62 : vector<8x512x96xi1>, vector<8x512x96xf32>
    %swap3A_71 = arith.constant 0 : index
    %swap3A_72 = arith.constant 1 : index
    %swap3A_73 = arith.constant 0 : index
    %swap3A_74 = arith.constant 0 : index
    %swap3A_75 = vector.load %arg3[%swap3A_71, %swap3A_72, %swap3A_73, %swap3A_74] : memref<8x2x512x96xf32, #tpu.memory_space<vmem>>, vector<8x1x512x96xf32>
    %swap3A_76 = vector.shape_cast %swap3A_75 : vector<8x1x512x96xf32> to vector<8x512x96xf32>
    %swap3A_77 = vector.shape_cast %select_n3A_70 : vector<8x512x96xf32> to vector<8x1x512x96xf32>
    tpu.vector_store %arg3[%swap3A_71, %swap3A_72, %swap3A_73, %swap3A_74], %swap3A_77 {strides = array<i32>} : memref<8x2x512x96xf32, #tpu.memory_space<vmem>>, vector<8x1x512x96xf32>,
    return
  }
  func.func @transform_0(%arg0: i32) -> (i32, i32, i32, i32) {
    %c0_i32 = arith.constant 0 : i32
    %c0_i32_0 = arith.constant 0 : i32
    %c0_i32_1 = arith.constant 0 : i32
    %c0_i32_2 = arith.constant 0 : i32
    return %arg0, %c0_i32, %c0_i32_0, %c0_i32_1 : i32, i32, i32, i32
  }
  func.func @transform_1(%arg0: i32) -> (i32, i32, i32) {
    %c0_i32 = arith.constant 0 : i32
    %c0_i32_0 = arith.constant 0 : i32
    %c0_i32_1 = arith.constant 0 : i32
    return %arg0, %c0_i32, %c0_i32_0 : i32, i32, i32
  }
  func.func @transform_2(%arg0: i32) -> (i32, i32, i32, i32) {
    %c0_i32 = arith.constant 0 : i32
    %c0_i32_0 = arith.constant 0 : i32
    %c0_i32_1 = arith.constant 0 : i32
    %c0_i32_2 = arith.constant 0 : i32
    return %arg0, %c0_i32, %c0_i32_0, %c0_i32_1 : i32, i32, i32, i32
  }
}

</mosaic_0001>

<sc_bundles>
// kernel: sparse-core-data-format-call.cloned.1.call-start
scs
called_computation_lowered:
.L_overlay_start_0:
0x0: {  	s2 =	sld [smem:$0x3FD9]  }
0x1: {  	s3 =	sld [smem:$0x3FFE];
	_ =	sdelay $0x1  }
0x2: {  	s1 =	srdreg.scid  }
0x3: {  	s0 =	sand.u32 $0x1, s1  }
0x4: {  	s18 =	sshll.u32 s0, $0xA;
	s2 =	sadd.s32 s3, s2  }
0x5: {  	s2 =	sadd.s32 s2, s18  }
0x6: {  	[smem:$0x3FC6] =	sst s2  }
0x7: {  	_ = 	snop  }
0x8: {  	s2 =	sld [smem:$0x3FD0];
	(tm) =	ssettm $0x1  }
0x9: {  	s19 =	sld [smem:$0x3FFB];
	_ =	sdelay $0x3  }
0xa: {  	_ =	strace s19  }
0xb: {  	s3 =	sld [smem:$0x3FFC];
	_ =	sdelay $0x3  }
0xc: {  	_ =	strace s3  }
0xd: {  	s3 =	sld [smem:$0x3FFD];
	_ =	sdelay $0x3  }
0xe: {  	_ =	strace s3  }
0xf: {  	_ =	strace $0x8FFFFFFF  }
0x10: {  	s20 =	sld [smem:$0x3FDB];
	_ =	sdelay $0x1  }
0x11: {  	s4 =	simm.s32 $_scs_section_size  }
0x12: {  	s5 =	simm.s32 $_size__tile_overlayer_lowered;
	s6 =	simm.s32 $_tile_overlayer_lowered  }
0x13: {  	s23 =	simm.s32 $0x1BFF;
	s22 =	sshll.u32 s6, $0x1;
	s3 =	sadd.s32 s4, s20  }
0x14: {  	s7 =	simm.s32 $0x0;
	s21 =	sshll.u32 s5, $0x1;
	s5 =	sadd.s32 s22, s3  }
0x15: {  	[timem:s7], [sflag:s23] =	dma.local [hbm:s5], s21  }
0x16: {  	_ =	swait.ge [sflag:s23], s21  }
0x17: {  	s4 =	ssub.s32 $0x0, s21;
	[sflag:s23] =	ssyncset.done $0x0  }
0x18: {  	[sflag:s23] =	ssyncadd.s32 s4;
	_ =	sdelay $0x1  }
0x19: {  	s24 =	simm.s32 $0x1B8B  }
0x1a: {  	_ =	swait.ge [sflag:s24], $0x1  }
0x1b: {  	[sflag:s24] =	ssyncset.done $0x0  }
0x1c: {  	s26 =	simm.s32 $0x1B8E;
	s25 =	sld [smem:$0x3FFE];
	[sflag:s24] =	ssyncadd.s32 $0xFFFFFFFF  }
0x1d: {  	s27 =	simm.s32 $execute0_lowered;
	[smem:$0x3FD2] =	sst s26  }
0x1e: {  	s5 =	sshll.u32 s27, $0x1;
	_ =	strace $0x80000046;
	[dreg:$0x1] =	wrdreg $0xFFFFFFFF  }
0x1f: {  	s28 =	simm.s32 $_size_execute0_lowered;
	s3 =	sadd.s32 s3, s5;
	[dreg:$0x0] =	wrdreg $0x0  }
0x20: {  	s5 =	sshll.u32 s28, $0x1;
	[dreg:$0x2] =	wrdreg s3  }
0x21: {  	[dreg:$0x3] =	wrdreg s5  }
0x22: {  	[dreg:$0x4] =	wrdreg $0xC0  }
0x23: {  	_ =	task [dreg:s7], $0x5FFFF  }
0x24: {  	[dreg:$0x1] =	wrdreg $0xFFFFFFFF  }
0x25: {  	[dreg:$0x0] =	wrdreg $0x60  }
0x26: {  	[dreg:$0x2] =	wrdreg s25  }
0x27: {  	[dreg:$0x3] =	wrdreg s2  }
0x28: {  	[dreg:$0x4] =	wrdreg $0x9  }
0x29: {  	_ =	task.clear_ibuf [dreg:s7], $0x5FFFF;
	_ =	strace $0x90000046  }
0x2a: {  	s29 =	simm.s32 $0x9;
	_ =	strace $0x80000048  }
0x2b: {  	_ =	swait.ge [sflag:s29], $0x1  }
0x2c: {  	[sflag:s29] =	ssyncadd.s32 $0xFFFFFFFF  }
0x2d: {  	_ =	strace $0x90000048  }
0x2e: {  	_ =	sfence  }
0x2f: {  	s30 =	sld [smem:$0x0];
	_ =	sdelay $0x2  }
0x30: {  	s31 =	sshll.u32 s1, $0xD;
	s1 =	sshrl.u32 s1, $0x2  }
0x31: {  	s3 =	sand.u32 $0x4000, s31;
	s1 =	sadd.s32 s1, s30  }
0x32: {  	s0 =	sor.u32 s3, s0;
	s1 =	sshll.u32 s1, $0x11  }
0x33: {  	s0 =	sor.u32 s1, s0  }
0x34: {  	s0 =	sadd.s32 $0x8F2B, s0  }
0x35: {  	[sflag:s0] =	ssyncadd.remote.s32 $0x1  }
0x36: {  	_ =	sfence.sel $0xFFFF  }
0x37: {  	[dreg:$0x0] =	wrdreg $0xFFFFFFFF;
	(pc) =	sbr.abs _section_cstart, $3  }
0x38: {  	[dreg:$0x1] =	wrdreg $0xFFFFFFFF  }
0x39: {  	_ =	task.clear_ibuf [dreg:s7], $0x2FFFF;
	_ =	strace $0x9FFFFFFF  }
0x3a: {  	(tm) =	ssettm $0x7FFFFFFF  }
0x3b: {  	_ =	shalt  }
tec
execute0_lowered:
.L_overlay_start_1:
0x0: {  	(tag) =	ssettag $0x1  }
0x1: {  	s1 =	rddreg [dreg:$0x0]  }
0x2: {  	s2 =	rddreg [dreg:$0x1]  }
0x3: {  	s0 =	rddreg [dreg:$0x2]  }
0x4: {  	s4 =	srdreg.scid;
	_ =	strace $0x80000047;
	s6 =	simm.s32 $0x2  }
0x5: {  	s12 =	simm.s32 $0x0;
	p0 =	por $0x0, $0x0;
	s13 =	simm.s32 $0x0  }
.Ltmp0:
0x6: {  	s8 =	simm.s32 $0x0;
	s9 =	simm.s32 $0x0;
	(pc) =	sbr.rel .LBB1_1-.Ltmp0, $4  }
0x7: {  	s10 =	simm.s32 $0x0;
	s3 =	sadd.s32 $0x400400, s1;
	s4 =	sshll.u32 s4, $0x4  }
0x8: {  	s1 =	stileid.u32;
	s5 =	sand.u32 $0x10, s4;
	s4 =	simm.s32 $0x1  }
0x9: {  	s7 =	simm.s32 $0x0;
	s5 =	sor.u32 s1, s5;
	[sflag:s4] =	ssyncpa.u1 $0x0  }
0xa: {  	[sflag:s6] =	ssyncpa.u1 $0x0;
	s6 =	simm.s32 $0x1000;
	s11 =	smov.u32 s5  }
.LBB1_5:
0xb: {  	p1 =	slt.u32 s7, $0x2  }
0xc: {  	s15 =	smov.u32 s13;
	p2 =	sgt.s32 @!p1 s13, $0x1FF;
	s14 =	sshra.s32 @!p1 s13, $0x1F  }
0xd: {  	p3 =	sgt.s32 @!p1 s12, $0x180;
	s16 =	sshra.s32 @!p1 s12, $0x1F;
	p2 =	por !p2, p1  }
0xe: {  	s13 =	sand.u32 @!p1 s14, s13;
	p3 =	por !p3, p1;
	s14 =	smov.u32 s12  }
0xf: {  	s12 =	sand.u32 @!p1 s16, s12;
	s15 =	simm.s32 @p2 $0x1FF;
	s14 =	simm.s32 @p3 $0x180  }
0x10: {  	s16 =	smov.u32 s11;
	s13 =	ssub.s32 @!p1 s15, s13;
	s12 =	ssub.s32 @!p1 s14, s12  }
0x11: {  	s14 =	sadd.s32 @!p1 $0xFFFFFE01, s13;
	s13 =	ssub.s32 @!p1 $0x200, s13;
	s15 =	sadd.s32 @!p1 $0xFFFFFE80, s12  }
0x12: {  	p2 =	sgt.s32 @!p1 s14, $0x0;
	s13 =	smul.u32 @!p1 $0x60, s13;
	p3 =	sgt.s32 @!p1 s15, $0x7F  }
0x13: {  	s12 =	ssub.s32 @!p1 $0x200, s12;
	p2 =	por !p2, p1;
	p3 =	por !p3, p1  }
0x14: {  	s14 =	sadd.s32 $0x80, s10;
	s13 =	simm.s32 @!p2 $0x0;
	s12 =	simm.s32 @!p3 $0x0  }
0x15: {  	p2 =	sgt.s32 s14, $0x1FF;
	s12 =	smul.u32 @!p1 s12, s13;
	s13 =	sadd.s32 $0x20, s11  }
0x16: {  	s16 =	smov.u32 @p2 s13  }
0x17: {  	s7 =	sadd.s32 $0x1, s7;
	s14 =	simm.s32 @p2 $0x0;
	p2 =	sgt.s32 s16, $0x1FF  }
0x18: {  	s16 =	smov.u32 @p2 s5;
	p2 =	sne.s32 s7, $0x42  }
.Ltmp1:
0x19: {  	p0 =	por !p0, !p0;
	(pc) =	sbr.rel @!p2 .LBB1_6-.Ltmp1, $4  }
0x1a: {  	s15 =	simm.s32 @!p1 $0x2;
	s13 =	smov.u32 s9;
	s12 =	sand.u32 @!p1 $0x3FFFFFE0, s12  }
0x1b: {  	s9 =	smov.u32 s11;
	_ =	swait.ge @!p1 [sflag:s15], s12;
	s17 =	ssub.s32 @!p1 $0x0, s12  }
0x1c: {  	s12 =	smov.u32 s8;
	s8 =	smov.u32 s10;
	[sflag:s15] =	ssyncset.done @!p1 $0x0  }
0x1d: {  	s10 =	smov.u32 s14;
	s11 =	smov.u32 s16;
	[sflag:s15] =	ssyncadd.s32 @!p1 s17  }
.LBB1_1:
0x1e: {  	p1 =	sgt.u32 s7, $0x3F  }
0x1f: {  	s14 =	sxor.u32 @!p1 $0xFFFFFFFF, s7;
	s15 =	sshll.u32 @!p1 s11, $0xD;
	s16 =	sshll.u32 @!p1 s10, $0x4  }
0x20: {  	s14 =	sshll.u32 @!p1 s14, $0xE;
	s16 =	sand.u32 @!p1 $0x1FF0, s16;
	s15 =	sadd.s32 @!p1 s3, s15  }
0x21: {  	s14 =	sand.u32 @!p1 $0x4000, s14;
	s15 =	sadd.s32 @!p1 s16, s15;
	s16 =	simm.s32 @!p1 $0x0  }
0x22: {  	[tilespmem:s14], [sflag:$0x1] =	stream.linear.gather @!p1 [hbm4b:s15+s16], $0x4000, $0x38;
	[tilespmem:$0x10100] =	vst v63  }
0x23: {  	p1 =	seq.s32 s7, $0x0  }
0x24: {  	p2 =	seq.s32 @!p1 s7, $0x41  }
0x25: {  	p1 =	por p1, p2  }
.Ltmp2:
0x26: {  	_ = 	snop;
	(pc) =	sbr.rel @p1 .LBB1_5-.Ltmp2, $1  }
0x27: {  	_ =	sdelay $0x3  }
0x28: {  	s14 =	simm.s32 $0x1  }
0x29: {  	_ =	swait.ge [sflag:s4], $0x4000;
	s14 =	simm.s32 @!p0 $0x0  }
0x2a: {  	[sflag:s4] =	ssyncset.done $0x0;
	s15 =	sshll.u32 s14, $0xE  }
0x2b: {  	[sflag:s4] =	ssyncadd.s32 $0xFFFFC000;
	s15 =	sor.u32 $0x40, s15  }
0x2c: {  	s14 =	smul.u32 $0x10200, s14;
	v0 =	vld [tilespmem:s15+$0x30]  }
0x2d: {  	v1 =	vld [tilespmem:s15+$0xFFFFFFD0]  }
0x2e: {  	s14 =	sshrl.u32 s14, $0x2;
	v5 =	vld [tilespmem:s15+$0xFFFFFFE0]  }
0x2f: {  	v6 =	vld [tilespmem:s15+$0xFFFFFFF0];
	s17 =	sor.u32 $0x8000, s14  }
0x30: {  	s31 =	sand.u32 $0x1, s7;
	v4 =	vld [tilespmem:s15+$0x0];
	s16 =	sadd.s32 $0x0, s17  }
0x31: {  	v3 =	vld [tilespmem:s15+$0x10];
	s14 =	smul.u32 $0x10200, s31;
	[tilespmem:s16+$0x3870 ss:$0x81] =	vst.msk $0xffff, v0  }
0x32: {  	v2 =	vld [tilespmem:s15+$0x20];
	[tilespmem:s16+$0x810 ss:$0x81] =	vst.msk $0xffff, v1  }
0x33: {  	s14 =	sshrl.u32 s14, $0x2;
	v1 =	vld [tilespmem:s15+$0xFFFFFFC0];
	[tilespmem:s16+$0x1020 ss:$0x81] =	vst.msk $0xffff, v5;
	s15 =	sadd.s32 $0x80, s15  }
0x34: {  	s18 =	simm.s32 $0x4;
	s19 =	simm.s32 $0x8;
	s14 =	sor.u32 $0x8000, s14;
	[tilespmem:s16+$0x1830 ss:$0x81] =	vst.msk $0xffff, v6;
	v0 =	vld [tilespmem:s15+$0x30]  }
.LBB1_3:
0x35: {  	p1 =	sne.s32 s19, $0x1FC;
	v5 =	vld [tilespmem:s15+$0xFFFFFFD0];
	[tilespmem:s16+$0x2040 ss:$0x81] =	vst.msk $0xffff, v4  }
0x36: {  	v6 =	vld [tilespmem:s15+$0xFFFFFFE0];
	[tilespmem:s16+$0x2850 ss:$0x81] =	vst.msk $0xffff, v3  }
0x37: {  	s20 =	sshra.s32 s18, $0x2;
	s18 =	smov.u32 s19;
	v7 =	vld [tilespmem:s15+$0xFFFFFFF0];
	[tilespmem:s16+$0x3060 ss:$0x81] =	vst.msk $0xffff, v2  }
.Ltmp3:
0x38: {  	v4 =	vld [tilespmem:s15+$0x0];
	[tilespmem:s16+$0x0 ss:$0x81] =	vst.msk $0xffff, v1;
	s16 =	sadd.s32 s20, s17;
	(pc) =	sbr.rel @p1 .LBB1_3-.Ltmp3, $4  }
0x39: {  	v3 =	vld [tilespmem:s15+$0x10];
	[tilespmem:s16+$0x3870 ss:$0x81] =	vst.msk $0xffff, v0  }
0x3a: {  	[tilespmem:s16+$0x810 ss:$0x81] =	vst.msk $0xffff, v5;
	v2 =	vld [tilespmem:s15+$0x20]  }
0x3b: {  	v1 =	vld [tilespmem:s15+$0xFFFFFFC0];
	[tilespmem:s16+$0x1020 ss:$0x81] =	vst.msk $0xffff, v6;
	s15 =	sadd.s32 $0x80, s15  }
0x3c: {  	s19 =	sadd.s32 $0x4, s19;
	v0 =	vld [tilespmem:s15+$0x30];
	[tilespmem:s16+$0x1830 ss:$0x81] =	vst.msk $0xffff, v7  }
0x3d: {  	s18 =	sshra.s32 s18, $0x2;
	s24 =	sshrl.u32 s8, $0x6  }
0x3e: {  	v5 =	vld [tilespmem:s15+$0xFFFFFFD0];
	p1 =	sgt.s32 s9, $0x1FF;
	s19 =	smov.u32 s9;
	s20 =	sshra.s32 s9, $0x1F  }
0x3f: {  	[tilespmem:s16+$0x2040 ss:$0x81] =	vst.msk $0xffff, v4;
	v58 =	vld [tilespmem:s15+$0xFFFFFFE0];
	s22 =	sshra.s32 s8, $0x1F;
	s27 =	smul.u32 $0x1800, s9;
	s28 =	sshrl.u32 s8, $0x3  }
0x40: {  	v59 =	vld [tilespmem:s15+$0xFFFFFFF0];
	s29 =	sand.u32 $0x7, s8;
	s17 =	sadd.s32 s18, s17;
	s18 =	sand.u32 $0x7FFFFE, s24;
	[tilespmem:s16+$0x2850 ss:$0x81] =	vst.msk $0xffff, v3  }
0x41: {  	v60 =	vld [tilespmem:s15+$0x0];
	s19 =	simm.s32 @!p1 $0x1FF;
	s20 =	sand.u32 s20, s9;
	p1 =	sgt.s32 s8, $0x180;
	[tilespmem:s16+$0x3060 ss:$0x81] =	vst.msk $0xffff, v2  }
0x42: {  	v61 =	vld [tilespmem:s15+$0x10];
	s22 =	sand.u32 s22, s8;
	s19 =	ssub.s32 s19, s20;
	s20 =	smov.u32 s8;
	[tilespmem:s16+$0x0 ss:$0x81] =	vst.msk $0xffff, v1  }
0x43: {  	s21 =	smulhi.u32 $0x2AAAAAB, s18;
	s25 =	ssub.s32 $0x200, s19;
	s20 =	simm.s32 @!p1 $0x180;
	[tilespmem:s17+$0x3870 ss:$0x81] =	vst.msk $0xffff, v0  }
0x44: {  	v62 =	vld [tilespmem:s15+$0x20];
	s19 =	sadd.s32 $0xFFFFFE01, s19;
	s20 =	ssub.s32 s20, s22;
	s16 =	smul.u32 $0x60, s25;
	[tilespmem:s17+$0x810 ss:$0x81] =	vst.msk $0xffff, v5  }
0x45: {  	v63 =	vld [tilespmem:s15+$0xFFFFFFC0];
	s21 =	smul.u32 $0x60, s21;
	p1 =	sgt.s32 s19, $0x0;
	s26 =	sadd.s32 $0xFFFFFE80, s20;
	[tilespmem:s17+$0x1020 ss:$0x81] =	vst.msk $0xffff, v58  }
0x46: {  	s15 =	ssub.s32 $0x200, s20;
	[tilespmem:s17+$0x1830 ss:$0x81] =	vst.msk $0xffff, v59;
	s16 =	simm.s32 @p1 $0x0;
	p1 =	sgt.s32 s26, $0x7F  }
.Ltmp4:
0x47: {  	s19 =	sadd.s32 s2, s27;
	[tilespmem:s17+$0x2040 ss:$0x81] =	vst.msk $0xffff, v60;
	s15 =	simm.s32 @p1 $0x0;
	(pc) =	sbr.rel .LBB1_5-.Ltmp4, $4  }
0x48: {  	[tilespmem:s17+$0x2850 ss:$0x81] =	vst.msk $0xffff, v61;
	s18 =	ssub.s32 s18, s21;
	s15 =	smul.u32 s15, s16;
	s16 =	sand.u32 $0xF, s28  }
0x49: {  	s30 =	sshll.u32 s29, $0x12;
	[tilespmem:s17+$0x3060 ss:$0x81] =	vst.msk $0xffff, v62;
	s18 =	sshll.u32 s18, $0x6;
	s16 =	sadd.s32 s16, s19  }
0x4a: {  	s31 =	sor.u32 $0x400, s30;
	[tilespmem:s17+$0x0 ss:$0x81] =	vst.msk $0xffff, v63;
	s15 =	sand.u32 $0x3FFFFFE0, s15;
	s16 =	sadd.s32 s18, s16  }
0x4b: {  	[hbm4b:s16+s31] =	stream.strided.scatter [tilespmem:s14], [sflag:$0x2], s15, s6, s31, $0x20;
	[tilespmem:$0x10100] =	vst v63  }
.LBB1_6:
0x4c: {  	_ =	sfence.sel $0x180000  }
0x4d: {  	s2 =	simm.s32 $0x1;
	[bflag:$0x0] =	sbarrier.arrive $0xFFFF  }
0x4e: {  	s31 =	simm.s32 $0x2;
	[sflag:s2] =	ssyncpa.u1 $0x1  }
0x4f: {  	[sflag:s31] =	ssyncpa.u1 $0x1  }
0x50: {  	p0 =	sne.s32 s1, $0x0;
	_ =	strace $0x90000047  }
0x51: {  	s0 =	sadd.s32 @!p0 $0x100000, s0;
	[bflag:$0x2] =	sbarrier.arrive $0xFFFF  }
0x52: {  	[sflag:s0] =	ssyncadd.tile.s32 @!p0 $0x1;
	_ =	shalt  }
.Lfunc_end1:
_tile_overlayer_lowered:
.L_overlay_start_2:
0x53: {  	(tag) =	ssettag $0x2  }
0x54: {  	s0 =	rddreg [dreg:$0x0];
	s2 =	stileid.u32  }
0x55: {  	s1 =	rddreg [dreg:$0x1];
	p0 =	sne.s32 s2, $0x0  }
0x56: {  	s3 =	rddreg [dreg:$0x2];
	[bflag:$0x3] =	sbarrier.arrive $0xFFFF;
	s2 =	simm.s32 @!p0 $0x1C01  }
0x57: {  	[timem:s3], [sflag:s2] =	dma.local @!p0 [hbm:s0], s1  }
0x58: {  	s0 =	simm.s32 @!p0 $0x1  }
0x59: {  	_ =	swait.ge @!p0 [sflag:s0], s1  }
0x5a: {  	s1 =	ssub.s32 @!p0 $0x0, s1;
	[sflag:s0] =	ssyncset.done @!p0 $0x0  }
0x5b: {  	[sflag:s0] =	ssyncadd.s32 @!p0 s1  }
0x5c: {  	[bflag:$0x3] =	sbarrier.arrive $0xFFFF  }
0x5d: {  	_ =	shalt  }

</sc_bundles>
